<compile_context>
chip_gen: v7x
topology: tpu7x:2x2x1
jax: 0.10.2.dev20260603
libtpu: 0.0.44.dev20260713+nightly
codegen_flags: <defaults>
</compile_context>

<pallas_src>
import jax
import jax.numpy as jnp
from jax import lax
from jax.experimental import pallas as pl
from jax.experimental.pallas import tpu as pltpu
from jax.experimental.pallas import tpu_sc as plsc

D_MODEL = 1024
EMBED_LEN = 8192
NC = 2
NS = 16
NW = NC * NS
CHUNK = 32
NBUF = 3


def _pe_gather(positions_hbm, table_hbm, out_hbm, idx_v, bufs, gsems, ssems):
    n_total = out_hbm.shape[0]
    b_per_w = n_total // NW

    wid = lax.axis_index("s") * NC + lax.axis_index("c")
    base = wid * b_per_w

    pltpu.sync_copy(positions_hbm.at[pl.ds(base, b_per_w)], idx_v)

    def gather(i, b):
        off = pl.multiple_of(i * CHUNK, CHUNK)
        pltpu.async_copy(table_hbm.at[idx_v.at[pl.ds(off, CHUNK)]],
                         bufs[b], gsems[b])

    def wait_gather(b):
        pltpu.make_async_copy(table_hbm.at[idx_v.at[pl.ds(0, CHUNK)]],
                              bufs[b], gsems[b]).wait()

    def store(i, b):
        off = pl.multiple_of(i * CHUNK, CHUNK)
        pltpu.async_copy(bufs[b], out_hbm.at[pl.ds(base + off, CHUNK)],
                         ssems[b])

    def wait_store(b):
        pltpu.make_async_copy(bufs[b],
                              out_hbm.at[pl.ds(base, CHUNK)], ssems[b]).wait()

    n_chunks = b_per_w // CHUNK
    n_grps = n_chunks // NBUF
    n_epi = n_chunks - n_grps * NBUF

    for b in range(NBUF):
        gather(b, b)

    def body(p, carry):
        i0 = NBUF * p
        for b in range(NBUF):
            wait_gather(b)
            store(i0 + b, b)
            wait_store(b)

            @pl.when(i0 + NBUF + b < n_chunks)
            def _():
                gather(i0 + NBUF + b, b)
        return carry

    lax.fori_loop(0, n_grps, body, 0)

    for b in range(n_epi):
        wait_gather(b)
        store(n_grps * NBUF + b, b)
        wait_store(b)


@jax.jit
def _pe_lookup(positions_flat, pe_table):
    n_total = positions_flat.shape[0]
    mesh = plsc.VectorSubcoreMesh(core_axis_name="c", subcore_axis_name="s")
    k = pl.kernel(
        _pe_gather,
        out_type=jax.ShapeDtypeStruct((n_total, D_MODEL), jnp.float32),
        mesh=mesh,
        scratch_types=[
            pltpu.VMEM((n_total // NW,), jnp.int32),
            [pltpu.VMEM((CHUNK, D_MODEL), jnp.float32)] * NBUF,
            [pltpu.SemaphoreType.DMA] * NBUF,
            [pltpu.SemaphoreType.DMA] * NBUF,
        ],
    )
    return k(positions_flat, pe_table)


def kernel(positions, pe_table):
    b, s = positions.shape
    out = _pe_lookup(positions.reshape(b * s), pe_table)
    return out.reshape(b, s, pe_table.shape[1])

# --- scband reference (transcript-rebuilt; emitter-appended) ---
"""Pipeline reference for scband-positional-encoding-75814762709773 (READ-ONLY COPY).

The authoritative reference and input builder live on the scoring server;
editing this copy changes nothing except your own understanding.
"""

import jax, jax.numpy as jnp
import numpy as np
import math

D_MODEL = 1024
EMBED_LEN = 8192
BATCH = 4
SEQ = 8192

def _sinusoidal_table(nb_p, dim):
    position = np.arange(0, nb_p).astype(np.float32)[:, None]
    div_term = np.exp(np.arange(0, dim, 2).astype(np.float32) * -(math.log(10000.0) / dim))
    E = np.zeros((nb_p, dim), dtype=np.float32)
    E[:, 0::2] = np.sin(position * div_term)
    E[:, 1::2] = np.cos(position * div_term)
    return jnp.asarray(E)

def setup_inputs(seed: int = 0) -> dict:
    key = jax.random.key(seed)
    positions = jax.random.randint(key, (BATCH, SEQ), 0, EMBED_LEN, dtype=jnp.int32)
    pe_table = _sinusoidal_table(EMBED_LEN, D_MODEL)
    return {"positions": positions, "pe_table": pe_table}

def reference(positions, pe_table):
    # PositionalEncoding with standard1Dpe=True: self.pe is an nn.Embedding
    # initialized with sinusoidal values; lookup = embedding gather.
    return jnp.take(pe_table, positions, axis=0)

if __name__ == "__main__":
    import jax
    _d = setup_inputs()
    print(jax.jit(kernel)(*tuple(_d.values())))

</pallas_src>

<mosaic_0001>
#map = affine_map<(d0, d1) -> (0)>
#map1 = affine_map<(d0, d1) -> (0, 0)>
module attributes {stable_mosaic.version = 14 : i64} {
  func.func @_pe_gather(%arg0: i32, %arg1: i32, %arg2: memref<32768xi32, #tpu.memory_space<hbm>>, %arg3: memref<8192x1024xf32, #tpu.memory_space<hbm>>, %arg4: memref<32768x1024xf32, #tpu.memory_space<hbm>>, %arg5: memref<1024xi32, #tpu.memory_space<vmem>>, %arg6: memref<32x1024xf32, #tpu.memory_space<vmem>>, %arg7: memref<32x1024xf32, #tpu.memory_space<vmem>>, %arg8: memref<32x1024xf32, #tpu.memory_space<vmem>>, %arg9: memref<!tpu.dma_semaphore, #tpu.memory_space<semaphore_mem>>, %arg10: memref<!tpu.dma_semaphore, #tpu.memory_space<semaphore_mem>>, %arg11: memref<!tpu.dma_semaphore, #tpu.memory_space<semaphore_mem>>, %arg12: memref<!tpu.dma_semaphore, #tpu.memory_space<semaphore_mem>>, %arg13: memref<!tpu.dma_semaphore, #tpu.memory_space<semaphore_mem>>, %arg14: memref<!tpu.dma_semaphore, #tpu.memory_space<semaphore_mem>>) attributes {dimension_semantics = [#tpu.dimension_semantics<core_parallel>, #tpu.dimension_semantics<subcore_parallel>], iteration_bounds = array<i64: 2, 16>, scalar_prefetch = 0 : i64, scratch_operands = 10 : i64, tpu.core_type = #tpu.core_type<sc_vector_subcore>, window_params = [{transform_indices = #map}, {transform_indices = #map1}, {transform_indices = #map1}]} {
    %mul3A = arith.constant 2 : i32
    %mul3A_0 = arith.muli %arg1, %mul3A : i32
    %add3A = arith.addi %mul3A_0, %arg0 : i32
    %mul3A_1 = arith.constant 1024 : i32
    %mul3A_2 = arith.muli %add3A, %mul3A_1 : i32
    "tpu.region"() ({
      %run_scoped3A = tpu.sem_alloc : memref<!tpu.dma_semaphore, #tpu.memory_space<semaphore_mem>>
      %dma_start3A_55 = tpu.memref_slice %arg2[%mul3A_2] : memref<32768xi32, #tpu.memory_space<hbm>> -> memref<1024xi32, #tpu.memory_space<hbm>>
      %dma_start3A_56 = tpu.memref_slice %arg2[%mul3A_2] : memref<32768xi32, #tpu.memory_space<hbm>> -> memref<1024xi32, #tpu.memory_space<hbm>>
      tpu.enqueue_dma source(%dma_start3A_56 : memref<1024xi32, #tpu.memory_space<hbm>>) target(%arg5 : memref<1024xi32, #tpu.memory_space<vmem>>) target_semaphore(%run_scoped3A : memref<!tpu.dma_semaphore, #tpu.memory_space<semaphore_mem>>)
      %dma_wait3A_57 = tpu.memref_slice %arg2[%mul3A_2] : memref<32768xi32, #tpu.memory_space<hbm>> -> memref<1024xi32, #tpu.memory_space<hbm>>
      %dma_wait3A_58 = tpu.memref_slice %arg2[%mul3A_2] : memref<32768xi32, #tpu.memory_space<hbm>> -> memref<1024xi32, #tpu.memory_space<hbm>>
      tpu.wait_dma2 semaphore(%run_scoped3A : memref<!tpu.dma_semaphore, #tpu.memory_space<semaphore_mem>>) src(%dma_wait3A_58 : memref<1024xi32, #tpu.memory_space<hbm>>) dst(%arg5 : memref<1024xi32, #tpu.memory_space<vmem>>)
      tpu.yield
    }) : () -> ()
    %multiple_of3A = arith.constant 0 : i32
    %multiple_of3A_3 = tpu.assume_multiple %multiple_of3A, 32 : i32
    %dma_start3A = tpu.memref_slice %arg5[%multiple_of3A_3] : memref<1024xi32, #tpu.memory_space<vmem>> -> memref<32xi32, #tpu.memory_space<vmem>>
    %dma_start3A_4 = arith.constant 0 : i32
    %dma_start3A_5 = arith.constant 0 : i32
    %dma_start3A_6 = tpu.memref_slice %arg3[%dma_start3A_4, %dma_start3A_5] : memref<8192x1024xf32, #tpu.memory_space<hbm>> -> memref<8192x1024xf32, #tpu.memory_space<hbm>>
    tpu.enqueue_indirect_dma source(%dma_start3A_6 : memref<8192x1024xf32, #tpu.memory_space<hbm>>) target(%arg6 : memref<32x1024xf32, #tpu.memory_space<vmem>>) offsets(%dma_start3A : memref<32xi32, #tpu.memory_space<vmem>>) semaphore(%arg9 : memref<!tpu.dma_semaphore, #tpu.memory_space<semaphore_mem>>)
    %multiple_of3A_7 = arith.constant 32 : i32
    %multiple_of3A_8 = tpu.assume_multiple %multiple_of3A_7, 32 : i32
    %dma_start3A_9 = tpu.memref_slice %arg5[%multiple_of3A_8] : memref<1024xi32, #tpu.memory_space<vmem>> -> memref<32xi32, #tpu.memory_space<vmem>>
    %dma_start3A_10 = arith.constant 0 : i32
    %dma_start3A_11 = arith.constant 0 : i32
    %dma_start3A_12 = tpu.memref_slice %arg3[%dma_start3A_10, %dma_start3A_11] : memref<8192x1024xf32, #tpu.memory_space<hbm>> -> memref<8192x1024xf32, #tpu.memory_space<hbm>>
    tpu.enqueue_indirect_dma source(%dma_start3A_12 : memref<8192x1024xf32, #tpu.memory_space<hbm>>) target(%arg7 : memref<32x1024xf32, #tpu.memory_space<vmem>>) offsets(%dma_start3A_9 : memref<32xi32, #tpu.memory_space<vmem>>) semaphore(%arg10 : memref<!tpu.dma_semaphore, #tpu.memory_space<semaphore_mem>>)
    %multiple_of3A_13 = arith.constant 64 : i32
    %multiple_of3A_14 = tpu.assume_multiple %multiple_of3A_13, 32 : i32
    %dma_start3A_15 = tpu.memref_slice %arg5[%multiple_of3A_14] : memref<1024xi32, #tpu.memory_space<vmem>> -> memref<32xi32, #tpu.memory_space<vmem>>
    %dma_start3A_16 = arith.constant 0 : i32
    %dma_start3A_17 = arith.constant 0 : i32
    %dma_start3A_18 = tpu.memref_slice %arg3[%dma_start3A_16, %dma_start3A_17] : memref<8192x1024xf32, #tpu.memory_space<hbm>> -> memref<8192x1024xf32, #tpu.memory_space<hbm>>
    tpu.enqueue_indirect_dma source(%dma_start3A_18 : memref<8192x1024xf32, #tpu.memory_space<hbm>>) target(%arg8 : memref<32x1024xf32, #tpu.memory_space<vmem>>) offsets(%dma_start3A_15 : memref<32xi32, #tpu.memory_space<vmem>>) semaphore(%arg11 : memref<!tpu.dma_semaphore, #tpu.memory_space<semaphore_mem>>)
    %scan3A = arith.constant 0 : i32
    %scan3A_19 = arith.constant 0 : i32
    %scan3A_20 = arith.constant 10 : i32
    %scan3A_21 = arith.addi %scan3A_19, %scan3A_20 : i32
    %scan3A_22 = arith.constant 1 : i32
    scf.for %scan3A_55 = %scan3A_19 to %scan3A_21 step %scan3A_22  : i32 {
      %mul3A_56 = arith.constant 3 : i32
      %mul3A_57 = arith.muli %mul3A_56, %scan3A_55 : i32
      %dma_wait3A_58 = arith.constant 0 : i32
      %dma_wait3A_59 = tpu.memref_slice %arg5[%dma_wait3A_58] : memref<1024xi32, #tpu.memory_space<vmem>> -> memref<32xi32, #tpu.memory_space<vmem>>
      %dma_wait3A_60 = arith.constant 0 : i32
      %dma_wait3A_61 = arith.constant 0 : i32
      %dma_wait3A_62 = tpu.memref_slice %arg3[%dma_wait3A_60, %dma_wait3A_61] : memref<8192x1024xf32, #tpu.memory_space<hbm>> -> memref<8192x1024xf32, #tpu.memory_space<hbm>>
      tpu.wait_indirect_dma semaphore(%arg9 : memref<!tpu.dma_semaphore, #tpu.memory_space<semaphore_mem>>) src(%dma_wait3A_62 : memref<8192x1024xf32, #tpu.memory_space<hbm>>) dst(%arg6 : memref<32x1024xf32, #tpu.memory_space<vmem>>)
      %add3A_63 = arith.constant 0 : i32
      %add3A_64 = arith.addi %mul3A_57, %add3A_63 : i32
      %mul3A_65 = arith.constant 32 : i32
      %mul3A_66 = arith.muli %add3A_64, %mul3A_65 : i32
      %multiple_of3A_67 = tpu.assume_multiple %mul3A_66, 32 : i32
      %add3A_68 = arith.addi %mul3A_2, %multiple_of3A_67 : i32
      %dma_start3A_69 = arith.constant 0 : i32
      %dma_start3A_70 = tpu.memref_slice %arg4[%add3A_68, %dma_start3A_69] : memref<32768x1024xf32, #tpu.memory_space<hbm>> -> memref<32x1024xf32, #tpu.memory_space<hbm>>
      %dma_start3A_71 = arith.constant 0 : i32
      %dma_start3A_72 = tpu.memref_slice %arg4[%add3A_68, %dma_start3A_71] : memref<32768x1024xf32, #tpu.memory_space<hbm>> -> memref<32x1024xf32, #tpu.memory_space<hbm>>
      tpu.enqueue_dma source(%arg6 : memref<32x1024xf32, #tpu.memory_space<vmem>>) target(%dma_start3A_72 : memref<32x1024xf32, #tpu.memory_space<hbm>>) target_semaphore(%arg12 : memref<!tpu.dma_semaphore, #tpu.memory_space<semaphore_mem>>)
      %dma_wait3A_73 = arith.constant 0 : i32
      %dma_wait3A_74 = tpu.memref_slice %arg4[%mul3A_2, %dma_wait3A_73] : memref<32768x1024xf32, #tpu.memory_space<hbm>> -> memref<32x1024xf32, #tpu.memory_space<hbm>>
      %dma_wait3A_75 = arith.constant 0 : i32
      %dma_wait3A_76 = tpu.memref_slice %arg4[%mul3A_2, %dma_wait3A_75] : memref<32768x1024xf32, #tpu.memory_space<hbm>> -> memref<32x1024xf32, #tpu.memory_space<hbm>>
      tpu.wait_dma2 semaphore(%arg12 : memref<!tpu.dma_semaphore, #tpu.memory_space<semaphore_mem>>) src(%arg6 : memref<32x1024xf32, #tpu.memory_space<vmem>>) dst(%dma_wait3A_76 : memref<32x1024xf32, #tpu.memory_space<hbm>>)
      %add3A_77 = arith.constant 3 : i32
      %add3A_78 = arith.addi %mul3A_57, %add3A_77 : i32
      %add3A_79 = arith.constant 0 : i32
      %add3A_80 = arith.addi %add3A_78, %add3A_79 : i32
      %lt3A = arith.constant 32 : i32
      %lt3A_81 = arith.cmpi slt, %add3A_80, %lt3A : i32
      %convert_element_type3A = arith.extui %lt3A_81 : i1 to i32
      %cond3A = arith.constant 0 : i32
      %cond3A_82 = arith.cmpi ne, %convert_element_type3A, %cond3A : i32
      scf.if %cond3A_82 {
        %add3A_139 = arith.constant 3 : i32
        %add3A_140 = arith.addi %mul3A_57, %add3A_139 : i32
        %add3A_141 = arith.constant 0 : i32
        %add3A_142 = arith.addi %add3A_140, %add3A_141 : i32
        %mul3A_143 = arith.constant 32 : i32
        %mul3A_144 = arith.muli %add3A_142, %mul3A_143 : i32
        %multiple_of3A_145 = tpu.assume_multiple %mul3A_144, 32 : i32
        %dma_start3A_146 = tpu.memref_slice %arg5[%multiple_of3A_145] : memref<1024xi32, #tpu.memory_space<vmem>> -> memref<32xi32, #tpu.memory_space<vmem>>
        %dma_start3A_147 = arith.constant 0 : i32
        %dma_start3A_148 = arith.constant 0 : i32
        %dma_start3A_149 = tpu.memref_slice %arg3[%dma_start3A_147, %dma_start3A_148] : memref<8192x1024xf32, #tpu.memory_space<hbm>> -> memref<8192x1024xf32, #tpu.memory_space<hbm>>
        tpu.enqueue_indirect_dma source(%dma_start3A_149 : memref<8192x1024xf32, #tpu.memory_space<hbm>>) target(%arg6 : memref<32x1024xf32, #tpu.memory_space<vmem>>) offsets(%dma_start3A_146 : memref<32xi32, #tpu.memory_space<vmem>>) semaphore(%arg9 : memref<!tpu.dma_semaphore, #tpu.memory_space<semaphore_mem>>)
      } else {
      }
      %dma_wait3A_83 = arith.constant 0 : i32
      %dma_wait3A_84 = tpu.memref_slice %arg5[%dma_wait3A_83] : memref<1024xi32, #tpu.memory_space<vmem>> -> memref<32xi32, #tpu.memory_space<vmem>>
      %dma_wait3A_85 = arith.constant 0 : i32
      %dma_wait3A_86 = arith.constant 0 : i32
      %dma_wait3A_87 = tpu.memref_slice %arg3[%dma_wait3A_85, %dma_wait3A_86] : memref<8192x1024xf32, #tpu.memory_space<hbm>> -> memref<8192x1024xf32, #tpu.memory_space<hbm>>
      tpu.wait_indirect_dma semaphore(%arg10 : memref<!tpu.dma_semaphore, #tpu.memory_space<semaphore_mem>>) src(%dma_wait3A_87 : memref<8192x1024xf32, #tpu.memory_space<hbm>>) dst(%arg7 : memref<32x1024xf32, #tpu.memory_space<vmem>>)
      %add3A_88 = arith.constant 1 : i32
      %add3A_89 = arith.addi %mul3A_57, %add3A_88 : i32
      %mul3A_90 = arith.constant 32 : i32
      %mul3A_91 = arith.muli %add3A_89, %mul3A_90 : i32
      %multiple_of3A_92 = tpu.assume_multiple %mul3A_91, 32 : i32
      %add3A_93 = arith.addi %mul3A_2, %multiple_of3A_92 : i32
      %dma_start3A_94 = arith.constant 0 : i32
      %dma_start3A_95 = tpu.memref_slice %arg4[%add3A_93, %dma_start3A_94] : memref<32768x1024xf32, #tpu.memory_space<hbm>> -> memref<32x1024xf32, #tpu.memory_space<hbm>>
      %dma_start3A_96 = arith.constant 0 : i32
      %dma_start3A_97 = tpu.memref_slice %arg4[%add3A_93, %dma_start3A_96] : memref<32768x1024xf32, #tpu.memory_space<hbm>> -> memref<32x1024xf32, #tpu.memory_space<hbm>>
      tpu.enqueue_dma source(%arg7 : memref<32x1024xf32, #tpu.memory_space<vmem>>) target(%dma_start3A_97 : memref<32x1024xf32, #tpu.memory_space<hbm>>) target_semaphore(%arg13 : memref<!tpu.dma_semaphore, #tpu.memory_space<semaphore_mem>>)
      %dma_wait3A_98 = arith.constant 0 : i32
      %dma_wait3A_99 = tpu.memref_slice %arg4[%mul3A_2, %dma_wait3A_98] : memref<32768x1024xf32, #tpu.memory_space<hbm>> -> memref<32x1024xf32, #tpu.memory_space<hbm>>
      %dma_wait3A_100 = arith.constant 0 : i32
      %dma_wait3A_101 = tpu.memref_slice %arg4[%mul3A_2, %dma_wait3A_100] : memref<32768x1024xf32, #tpu.memory_space<hbm>> -> memref<32x1024xf32, #tpu.memory_space<hbm>>
      tpu.wait_dma2 semaphore(%arg13 : memref<!tpu.dma_semaphore, #tpu.memory_space<semaphore_mem>>) src(%arg7 : memref<32x1024xf32, #tpu.memory_space<vmem>>) dst(%dma_wait3A_101 : memref<32x1024xf32, #tpu.memory_space<hbm>>)
      %add3A_102 = arith.constant 3 : i32
      %add3A_103 = arith.addi %mul3A_57, %add3A_102 : i32
      %add3A_104 = arith.constant 1 : i32
      %add3A_105 = arith.addi %add3A_103, %add3A_104 : i32
      %lt3A_106 = arith.constant 32 : i32
      %lt3A_107 = arith.cmpi slt, %add3A_105, %lt3A_106 : i32
      %convert_element_type3A_108 = arith.extui %lt3A_107 : i1 to i32
      %cond3A_109 = arith.constant 0 : i32
      %cond3A_110 = arith.cmpi ne, %convert_element_type3A_108, %cond3A_109 : i32
      scf.if %cond3A_110 {
        %add3A_139 = arith.constant 3 : i32
        %add3A_140 = arith.addi %mul3A_57, %add3A_139 : i32
        %add3A_141 = arith.constant 1 : i32
        %add3A_142 = arith.addi %add3A_140, %add3A_141 : i32
        %mul3A_143 = arith.constant 32 : i32
        %mul3A_144 = arith.muli %add3A_142, %mul3A_143 : i32
        %multiple_of3A_145 = tpu.assume_multiple %mul3A_144, 32 : i32
        %dma_start3A_146 = tpu.memref_slice %arg5[%multiple_of3A_145] : memref<1024xi32, #tpu.memory_space<vmem>> -> memref<32xi32, #tpu.memory_space<vmem>>
        %dma_start3A_147 = arith.constant 0 : i32
        %dma_start3A_148 = arith.constant 0 : i32
        %dma_start3A_149 = tpu.memref_slice %arg3[%dma_start3A_147, %dma_start3A_148] : memref<8192x1024xf32, #tpu.memory_space<hbm>> -> memref<8192x1024xf32, #tpu.memory_space<hbm>>
        tpu.enqueue_indirect_dma source(%dma_start3A_149 : memref<8192x1024xf32, #tpu.memory_space<hbm>>) target(%arg7 : memref<32x1024xf32, #tpu.memory_space<vmem>>) offsets(%dma_start3A_146 : memref<32xi32, #tpu.memory_space<vmem>>) semaphore(%arg10 : memref<!tpu.dma_semaphore, #tpu.memory_space<semaphore_mem>>)
      } else {
      }
      %dma_wait3A_111 = arith.constant 0 : i32
      %dma_wait3A_112 = tpu.memref_slice %arg5[%dma_wait3A_111] : memref<1024xi32, #tpu.memory_space<vmem>> -> memref<32xi32, #tpu.memory_space<vmem>>
      %dma_wait3A_113 = arith.constant 0 : i32
      %dma_wait3A_114 = arith.constant 0 : i32
      %dma_wait3A_115 = tpu.memref_slice %arg3[%dma_wait3A_113, %dma_wait3A_114] : memref<8192x1024xf32, #tpu.memory_space<hbm>> -> memref<8192x1024xf32, #tpu.memory_space<hbm>>
      tpu.wait_indirect_dma semaphore(%arg11 : memref<!tpu.dma_semaphore, #tpu.memory_space<semaphore_mem>>) src(%dma_wait3A_115 : memref<8192x1024xf32, #tpu.memory_space<hbm>>) dst(%arg8 : memref<32x1024xf32, #tpu.memory_space<vmem>>)
      %add3A_116 = arith.constant 2 : i32
      %add3A_117 = arith.addi %mul3A_57, %add3A_116 : i32
      %mul3A_118 = arith.constant 32 : i32
      %mul3A_119 = arith.muli %add3A_117, %mul3A_118 : i32
      %multiple_of3A_120 = tpu.assume_multiple %mul3A_119, 32 : i32
      %add3A_121 = arith.addi %mul3A_2, %multiple_of3A_120 : i32
      %dma_start3A_122 = arith.constant 0 : i32
      %dma_start3A_123 = tpu.memref_slice %arg4[%add3A_121, %dma_start3A_122] : memref<32768x1024xf32, #tpu.memory_space<hbm>> -> memref<32x1024xf32, #tpu.memory_space<hbm>>
      %dma_start3A_124 = arith.constant 0 : i32
      %dma_start3A_125 = tpu.memref_slice %arg4[%add3A_121, %dma_start3A_124] : memref<32768x1024xf32, #tpu.memory_space<hbm>> -> memref<32x1024xf32, #tpu.memory_space<hbm>>
      tpu.enqueue_dma source(%arg8 : memref<32x1024xf32, #tpu.memory_space<vmem>>) target(%dma_start3A_125 : memref<32x1024xf32, #tpu.memory_space<hbm>>) target_semaphore(%arg14 : memref<!tpu.dma_semaphore, #tpu.memory_space<semaphore_mem>>)
      %dma_wait3A_126 = arith.constant 0 : i32
      %dma_wait3A_127 = tpu.memref_slice %arg4[%mul3A_2, %dma_wait3A_126] : memref<32768x1024xf32, #tpu.memory_space<hbm>> -> memref<32x1024xf32, #tpu.memory_space<hbm>>
      %dma_wait3A_128 = arith.constant 0 : i32
      %dma_wait3A_129 = tpu.memref_slice %arg4[%mul3A_2, %dma_wait3A_128] : memref<32768x1024xf32, #tpu.memory_space<hbm>> -> memref<32x1024xf32, #tpu.memory_space<hbm>>
      tpu.wait_dma2 semaphore(%arg14 : memref<!tpu.dma_semaphore, #tpu.memory_space<semaphore_mem>>) src(%arg8 : memref<32x1024xf32, #tpu.memory_space<vmem>>) dst(%dma_wait3A_129 : memref<32x1024xf32, #tpu.memory_space<hbm>>)
      %add3A_130 = arith.constant 3 : i32
      %add3A_131 = arith.addi %mul3A_57, %add3A_130 : i32
      %add3A_132 = arith.constant 2 : i32
      %add3A_133 = arith.addi %add3A_131, %add3A_132 : i32
      %lt3A_134 = arith.constant 32 : i32
      %lt3A_135 = arith.cmpi slt, %add3A_133, %lt3A_134 : i32
      %convert_element_type3A_136 = arith.extui %lt3A_135 : i1 to i32
      %cond3A_137 = arith.constant 0 : i32
      %cond3A_138 = arith.cmpi ne, %convert_element_type3A_136, %cond3A_137 : i32
      scf.if %cond3A_138 {
        %add3A_139 = arith.constant 3 : i32
        %add3A_140 = arith.addi %mul3A_57, %add3A_139 : i32
        %add3A_141 = arith.constant 2 : i32
        %add3A_142 = arith.addi %add3A_140, %add3A_141 : i32
        %mul3A_143 = arith.constant 32 : i32
        %mul3A_144 = arith.muli %add3A_142, %mul3A_143 : i32
        %multiple_of3A_145 = tpu.assume_multiple %mul3A_144, 32 : i32
        %dma_start3A_146 = tpu.memref_slice %arg5[%multiple_of3A_145] : memref<1024xi32, #tpu.memory_space<vmem>> -> memref<32xi32, #tpu.memory_space<vmem>>
        %dma_start3A_147 = arith.constant 0 : i32
        %dma_start3A_148 = arith.constant 0 : i32
        %dma_start3A_149 = tpu.memref_slice %arg3[%dma_start3A_147, %dma_start3A_148] : memref<8192x1024xf32, #tpu.memory_space<hbm>> -> memref<8192x1024xf32, #tpu.memory_space<hbm>>
        tpu.enqueue_indirect_dma source(%dma_start3A_149 : memref<8192x1024xf32, #tpu.memory_space<hbm>>) target(%arg8 : memref<32x1024xf32, #tpu.memory_space<vmem>>) offsets(%dma_start3A_146 : memref<32xi32, #tpu.memory_space<vmem>>) semaphore(%arg11 : memref<!tpu.dma_semaphore, #tpu.memory_space<semaphore_mem>>)
      } else {
      }
    }
    %scan3A_23 = arith.constant 10 : i32
    %dma_wait3A = arith.constant 0 : i32
    %dma_wait3A_24 = tpu.memref_slice %arg5[%dma_wait3A] : memref<1024xi32, #tpu.memory_space<vmem>> -> memref<32xi32, #tpu.memory_space<vmem>>
    %dma_wait3A_25 = arith.constant 0 : i32
    %dma_wait3A_26 = arith.constant 0 : i32
    %dma_wait3A_27 = tpu.memref_slice %arg3[%dma_wait3A_25, %dma_wait3A_26] : memref<8192x1024xf32, #tpu.memory_space<hbm>> -> memref<8192x1024xf32, #tpu.memory_space<hbm>>
    tpu.wait_indirect_dma semaphore(%arg9 : memref<!tpu.dma_semaphore, #tpu.memory_space<semaphore_mem>>) src(%dma_wait3A_27 : memref<8192x1024xf32, #tpu.memory_space<hbm>>) dst(%arg6 : memref<32x1024xf32, #tpu.memory_space<vmem>>)
    %multiple_of3A_28 = arith.constant 960 : i32
    %multiple_of3A_29 = tpu.assume_multiple %multiple_of3A_28, 32 : i32
    %add3A_30 = arith.addi %mul3A_2, %multiple_of3A_29 : i32
    %dma_start3A_31 = arith.constant 0 : i32
    %dma_start3A_32 = tpu.memref_slice %arg4[%add3A_30, %dma_start3A_31] : memref<32768x1024xf32, #tpu.memory_space<hbm>> -> memref<32x1024xf32, #tpu.memory_space<hbm>>
    %dma_start3A_33 = arith.constant 0 : i32
    %dma_start3A_34 = tpu.memref_slice %arg4[%add3A_30, %dma_start3A_33] : memref<32768x1024xf32, #tpu.memory_space<hbm>> -> memref<32x1024xf32, #tpu.memory_space<hbm>>
    tpu.enqueue_dma source(%arg6 : memref<32x1024xf32, #tpu.memory_space<vmem>>) target(%dma_start3A_34 : memref<32x1024xf32, #tpu.memory_space<hbm>>) target_semaphore(%arg12 : memref<!tpu.dma_semaphore, #tpu.memory_space<semaphore_mem>>)
    %dma_wait3A_35 = arith.constant 0 : i32
    %dma_wait3A_36 = tpu.memref_slice %arg4[%mul3A_2, %dma_wait3A_35] : memref<32768x1024xf32, #tpu.memory_space<hbm>> -> memref<32x1024xf32, #tpu.memory_space<hbm>>
    %dma_wait3A_37 = arith.constant 0 : i32
    %dma_wait3A_38 = tpu.memref_slice %arg4[%mul3A_2, %dma_wait3A_37] : memref<32768x1024xf32, #tpu.memory_space<hbm>> -> memref<32x1024xf32, #tpu.memory_space<hbm>>
    tpu.wait_dma2 semaphore(%arg12 : memref<!tpu.dma_semaphore, #tpu.memory_space<semaphore_mem>>) src(%arg6 : memref<32x1024xf32, #tpu.memory_space<vmem>>) dst(%dma_wait3A_38 : memref<32x1024xf32, #tpu.memory_space<hbm>>)
    %dma_wait3A_39 = arith.constant 0 : i32
    %dma_wait3A_40 = tpu.memref_slice %arg5[%dma_wait3A_39] : memref<1024xi32, #tpu.memory_space<vmem>> -> memref<32xi32, #tpu.memory_space<vmem>>
    %dma_wait3A_41 = arith.constant 0 : i32
    %dma_wait3A_42 = arith.constant 0 : i32
    %dma_wait3A_43 = tpu.memref_slice %arg3[%dma_wait3A_41, %dma_wait3A_42] : memref<8192x1024xf32, #tpu.memory_space<hbm>> -> memref<8192x1024xf32, #tpu.memory_space<hbm>>
    tpu.wait_indirect_dma semaphore(%arg10 : memref<!tpu.dma_semaphore, #tpu.memory_space<semaphore_mem>>) src(%dma_wait3A_43 : memref<8192x1024xf32, #tpu.memory_space<hbm>>) dst(%arg7 : memref<32x1024xf32, #tpu.memory_space<vmem>>)
    %multiple_of3A_44 = arith.constant 992 : i32
    %multiple_of3A_45 = tpu.assume_multiple %multiple_of3A_44, 32 : i32
    %add3A_46 = arith.addi %mul3A_2, %multiple_of3A_45 : i32
    %dma_start3A_47 = arith.constant 0 : i32
    %dma_start3A_48 = tpu.memref_slice %arg4[%add3A_46, %dma_start3A_47] : memref<32768x1024xf32, #tpu.memory_space<hbm>> -> memref<32x1024xf32, #tpu.memory_space<hbm>>
    %dma_start3A_49 = arith.constant 0 : i32
    %dma_start3A_50 = tpu.memref_slice %arg4[%add3A_46, %dma_start3A_49] : memref<32768x1024xf32, #tpu.memory_space<hbm>> -> memref<32x1024xf32, #tpu.memory_space<hbm>>
    tpu.enqueue_dma source(%arg7 : memref<32x1024xf32, #tpu.memory_space<vmem>>) target(%dma_start3A_50 : memref<32x1024xf32, #tpu.memory_space<hbm>>) target_semaphore(%arg13 : memref<!tpu.dma_semaphore, #tpu.memory_space<semaphore_mem>>)
    %dma_wait3A_51 = arith.constant 0 : i32
    %dma_wait3A_52 = tpu.memref_slice %arg4[%mul3A_2, %dma_wait3A_51] : memref<32768x1024xf32, #tpu.memory_space<hbm>> -> memref<32x1024xf32, #tpu.memory_space<hbm>>
    %dma_wait3A_53 = arith.constant 0 : i32
    %dma_wait3A_54 = tpu.memref_slice %arg4[%mul3A_2, %dma_wait3A_53] : memref<32768x1024xf32, #tpu.memory_space<hbm>> -> memref<32x1024xf32, #tpu.memory_space<hbm>>
    tpu.wait_dma2 semaphore(%arg13 : memref<!tpu.dma_semaphore, #tpu.memory_space<semaphore_mem>>) src(%arg7 : memref<32x1024xf32, #tpu.memory_space<vmem>>) dst(%dma_wait3A_54 : memref<32x1024xf32, #tpu.memory_space<hbm>>)
    return
  }
}

</mosaic_0001>

<sc_bundles>
// kernel: _pe_lookup.3.cloned.1.call-start
scs
__scs_entry_jumppad:
0x0: {  	(pc) =	sbr.rel $0x88, $3  }
0x1: {  	(tag) =	ssettag $0x0;
	lr =	simm.s32 $0x1  }
0x2: {  	[smem:$0x3F9F] =	sst lr;
	_ =	strace $0xD0000000  }
0x3: {  	_ = 	snop  }
0x4: {  	_ = 	snop  }
0x5: {  	_ = 	snop  }
0x6: {  	_ = 	snop  }
0x7: {  	_ = 	snop  }
__scs_overlays_trampoline_lowered:
0x8: {  	[smem:$0x3FAE] =	sst s0  }
0x9: {  	[smem:$0x3FAF] =	sst s1  }
0xa: {  	[smem:$0x3FB0] =	sst s2  }
0xb: {  	[smem:$0x3FB1] =	sst s3  }
0xc: {  	[smem:$0x3FB2] =	sst s4  }
0xd: {  	[smem:$0x3FB3] =	sst s5  }
0xe: {  	[smem:$0x3FB4] =	sst s6  }
0xf: {  	[smem:$0x3FB5] =	sst s7  }
0x10: {  	[smem:$0x3FB6] =	sst s8  }
0x11: {  	[smem:$0x3FB7] =	sst s9;
	s0 =	simm.s32 @!p0 $0x0  }
0x12: {  	s1 =	sld [smem:$0x3F9D];
	s0 =	simm.s32 @p0 $0x1  }
0x13: {  	[smem:$0x3FB8] =	sst s0;
	s0 =	simm.s32 @!p1 $0x0  }
0x14: {  	s2 =	sld [smem:$0x3F9C];
	s0 =	simm.s32 @p1 $0x1  }
0x15: {  	[smem:$0x3FB9] =	sst s0;
	s0 =	simm.s32 @!p2 $0x0  }
0x16: {  	s3 =	sld [smem:$0x3FDB];
	s0 =	simm.s32 @p2 $0x1  }
0x17: {  	s4 =	simm.s32 $0x1BF5;
	[smem:$0x3FBB] =	sst s0  }
0x18: {  	s0 =	sld [smem:$0x3F9E];
	_ =	swait.ge [sflag:s4], $0x0  }
0x19: {  	s7 =	sld [smem:$0x3F9F]  }
0x1a: {  	s8 =	sadd.s32 $0xFFFFE003, lr  }
0x1b: {  	s9 =	sadd.s32 $0xFFFFFEF7, lr;
	s5 =	simm.s32 $0xFFFFFFFF;
	p2 =	slt.u32 s8, $0xFFFFF086  }
0x1c: {  	p1 =	slt.u32 s9, $0xF7A;
	s5 =	simm.s32 @!p2 $0x0  }
0x1d: {  	s5 =	simm.s32 @p1 $0x1;
	p0 =	seq.s32 s7, s2  }
0x1e: {  	s7 =	smul.u32 @!p0 $0xF7A, s2;
	p2 =	seq.s32 @!p0 s5, $0x0  }
0x1f: {  	s9 =	smul.u32 $0xF7A, s1;
	s8 =	simm.s32 @!p0 $0x1BF5;
	p2 =	por !p2, p0  }
0x20: {  	[sflag:s8] =	ssyncset.s32 @!p0 $0xFFFFF086;
	s6 =	sadd.s32 @!p0 s3, s7;
	s7 =	simm.s32 @!p0 $0x108  }
0x21: {  	s3 =	sadd.s32 s3, s9;
	s6 =	sadd.s32 @!p0 $0x88, s6;
	s7 =	simm.s32 @p2 $0x1082  }
0x22: {  	[simem:s7], [sflag:s8] =	dma.local @!p0 [hbm:s6], $0xF7A  }
0x23: {  	s9 =	sor.u32 $0xD0000000, s2;
	s6 =	simm.s32 $0x108;
	_ =	swait.ge @!p0 [sflag:s8], $0x0  }
0x24: {  	s3 =	sadd.s32 $0x88, s3;
	s6 =	simm.s32 @!p1 $0x1082;
	[sflag:s4] =	ssyncset.s32 $0xFFFFF086  }
0x25: {  	[simem:s6], [sflag:s4] =	dma.local [hbm:s3], $0xF7A  }
0x26: {  	[smem:$0x3F9F] =	sst s1;
	(tag) =	ssettag s2;
	_ =	strace s9  }
0x27: {  	s1 =	sld [smem:$0x3FAF]  }
0x28: {  	s2 =	sld [smem:$0x3FB0]  }
0x29: {  	s4 =	sld [smem:$0x3FB2]  }
0x2a: {  	p0 =	seq.s32 s5, $0x0;
	s5 =	sld [smem:$0x3FB3]  }
0x2b: {  	s6 =	sld [smem:$0x3FB4]  }
0x2c: {  	s7 =	sld [smem:$0x3FB5]  }
0x2d: {  	s3 =	simm.s32 $0x108;
	s8 =	sld [smem:$0x3FB6]  }
0x2e: {  	s3 =	simm.s32 @!p0 $0x1082;
	s9 =	sld [smem:$0x3FB7]  }
0x2f: {  	lr =	sadd.s32 s0, s3;
	s0 =	sld [smem:$0x3FAE]  }
0x30: {  	s3 =	sld [smem:$0x3FB1]  }
0x31: {  	[smem:$0x3FBA] =	sst s10  }
0x32: {  	s10 =	sld [smem:$0x3FB8];
	_ =	sdelay $0x3  }
0x33: {  	p0 =	seq.s32 s10, $0x1;
	s10 =	sld [smem:$0x3FBA];
	_ =	sdelay $0x3  }
0x34: {  	[smem:$0x3FBA] =	sst s10  }
0x35: {  	s10 =	sld [smem:$0x3FB9];
	_ =	sdelay $0x3  }
0x36: {  	p1 =	seq.s32 s10, $0x1;
	s10 =	sld [smem:$0x3FBA];
	_ =	sdelay $0x3  }
0x37: {  	[smem:$0x3FBA] =	sst s10  }
0x38: {  	s10 =	sld [smem:$0x3FBB]  }
0x39: {  	_ = 	snop;
	(pc) =	sbr.ind lr, $3  }
0x3a: {  	_ = 	snop  }
0x3b: {  	_ = 	snop  }
0x3c: {  	p2 =	seq.s32 s10, $0x1;
	s10 =	sld [smem:$0x3FBA]  }
0x3d: {  	_ =	shalt  }
0x3e: {  	_ =	shalt  }
0x3f: {  	_ =	shalt  }
0x40: {  	_ =	shalt  }
0x41: {  	_ =	shalt  }
0x42: {  	_ =	shalt  }
0x43: {  	_ =	shalt  }
0x44: {  	_ =	shalt  }
0x45: {  	_ =	shalt  }
0x46: {  	_ =	shalt  }
0x47: {  	_ =	shalt  }
0x48: {  	_ =	shalt  }
0x49: {  	_ =	shalt  }
0x4a: {  	_ =	shalt  }
0x4b: {  	_ =	shalt  }
0x4c: {  	_ =	shalt  }
0x4d: {  	_ =	shalt  }
0x4e: {  	_ =	shalt  }
0x4f: {  	_ =	shalt  }
0x50: {  	_ =	shalt  }
0x51: {  	_ =	shalt  }
0x52: {  	_ =	shalt  }
0x53: {  	_ =	shalt  }
0x54: {  	_ =	shalt  }
0x55: {  	_ =	shalt  }
0x56: {  	_ =	shalt  }
0x57: {  	_ =	shalt  }
0x58: {  	_ =	shalt  }
0x59: {  	_ =	shalt  }
0x5a: {  	_ =	shalt  }
0x5b: {  	_ =	shalt  }
0x5c: {  	_ =	shalt  }
0x5d: {  	_ =	shalt  }
0x5e: {  	_ =	shalt  }
0x5f: {  	_ =	shalt  }
0x60: {  	_ =	shalt  }
0x61: {  	_ =	shalt  }
0x62: {  	_ =	shalt  }
0x63: {  	_ =	shalt  }
0x64: {  	_ =	shalt  }
0x65: {  	_ =	shalt  }
0x66: {  	_ =	shalt  }
0x67: {  	_ =	shalt  }
0x68: {  	_ =	shalt  }
0x69: {  	_ =	shalt  }
0x6a: {  	_ =	shalt  }
0x6b: {  	_ =	shalt  }
0x6c: {  	_ =	shalt  }
0x6d: {  	_ =	shalt  }
0x6e: {  	_ =	shalt  }
0x6f: {  	_ =	shalt  }
0x70: {  	_ =	shalt  }
0x71: {  	_ =	shalt  }
0x72: {  	_ =	shalt  }
0x73: {  	_ =	shalt  }
0x74: {  	_ =	shalt  }
0x75: {  	_ =	shalt  }
0x76: {  	_ =	shalt  }
0x77: {  	_ =	shalt  }
0x78: {  	_ =	shalt  }
0x79: {  	_ =	shalt  }
0x7a: {  	_ =	shalt  }
0x7b: {  	_ =	shalt  }
0x7c: {  	_ =	shalt  }
0x7d: {  	_ =	shalt  }
0x7e: {  	_ =	shalt  }
0x7f: {  	_ =	shalt  }
0x80: {  	_ =	shalt  }
0x81: {  	_ =	shalt  }
0x82: {  	_ =	shalt  }
0x83: {  	_ =	shalt  }
0x84: {  	_ =	shalt  }
0x85: {  	_ =	shalt  }
0x86: {  	_ =	shalt  }
0x87: {  	_ =	shalt  }
.Lfunc_end0:
.L_simem_size_0:
called_computation_lowered:
.L_overlay_start_0:
0x88: {  	s2 =	sld [smem:$0x3FD9]  }
0x89: {  	s3 =	sld [smem:$0x3FFE];
	_ =	sdelay $0x1  }
0x8a: {  	s1 =	srdreg.scid  }
0x8b: {  	s0 =	sand.u32 $0x1, s1  }
0x8c: {  	s18 =	sshll.u32 s0, $0xA;
	s2 =	sadd.s32 s3, s2  }
0x8d: {  	s2 =	sadd.s32 s2, s18  }
0x8e: {  	[smem:$0x3FC6] =	sst s2  }
0x8f: {  	_ = 	snop  }
0x90: {  	s2 =	sld [smem:$0x3FC9]  }
0x91: {  	s19 =	sld [smem:$0x3FC8]  }
0x92: {  	s4 =	sld [smem:$0x3FD0];
	(tm) =	ssettm $0x1  }
0x93: {  	s5 =	sld [smem:$0x3FFB];
	_ =	sdelay $0x3  }
0x94: {  	_ =	strace s5  }
0x95: {  	s5 =	sld [smem:$0x3FFC];
	_ =	sdelay $0x3  }
0x96: {  	_ =	strace s5  }
0x97: {  	s5 =	sld [smem:$0x3FFD];
	_ =	sdelay $0x3  }
0x98: {  	_ =	strace s5  }
0x99: {  	_ =	strace $0x8FFFFFFF  }
0x9a: {  	s20 =	sld [smem:$0x3FDB];
	_ =	sdelay $0x1  }
0x9b: {  	s6 =	simm.s32 $_scs_section_size  }
0x9c: {  	s7 =	simm.s32 $_size__tile_overlayer_lowered;
	s8 =	simm.s32 $_tile_overlayer_lowered  }
0x9d: {  	s23 =	simm.s32 $0x1BFF;
	s22 =	sshll.u32 s8, $0x1;
	s5 =	sadd.s32 s6, s20  }
0x9e: {  	s9 =	simm.s32 $0x0;
	s21 =	sshll.u32 s7, $0x1;
	s7 =	sadd.s32 s22, s5  }
0x9f: {  	[timem:s9], [sflag:s23] =	dma.local [hbm:s7], s21  }
0xa0: {  	_ =	swait.ge [sflag:s23], s21  }
0xa1: {  	s6 =	ssub.s32 $0x0, s21;
	[sflag:s23] =	ssyncset.done $0x0  }
0xa2: {  	[sflag:s23] =	ssyncadd.s32 s6;
	_ =	sdelay $0x1  }
0xa3: {  	s24 =	simm.s32 $0x1B8B  }
0xa4: {  	_ =	swait.ge [sflag:s24], $0x1  }
0xa5: {  	[sflag:s24] =	ssyncset.done $0x0  }
0xa6: {  	s25 =	simm.s32 $0x1B8E;
	[sflag:s24] =	ssyncadd.s32 $0xFFFFFFFF  }
0xa7: {  	s26 =	simm.s32 $execute0_lowered;
	[smem:$0x3FD2] =	sst s25  }
0xa8: {  	s6 =	sshll.u32 s26, $0x1;
	_ =	strace $0x80000046;
	[dreg:$0x1] =	wrdreg $0xFFFFFFFF  }
0xa9: {  	s28 =	simm.s32 $_size_execute0_lowered;
	s5 =	sadd.s32 s5, s6;
	[dreg:$0x0] =	wrdreg $0x0  }
0xaa: {  	s6 =	sshll.u32 s28, $0x1;
	[dreg:$0x2] =	wrdreg s5  }
0xab: {  	[dreg:$0x3] =	wrdreg s6  }
0xac: {  	[dreg:$0x4] =	wrdreg $0xC0  }
0xad: {  	_ =	task [dreg:s9], $0x5FFFF  }
0xae: {  	[dreg:$0x1] =	wrdreg $0xFFFFFFFF  }
0xaf: {  	[dreg:$0x0] =	wrdreg $0x60  }
0xb0: {  	[dreg:$0x2] =	wrdreg s2  }
0xb1: {  	[dreg:$0x3] =	wrdreg s19  }
0xb2: {  	[dreg:$0x4] =	wrdreg s4  }
0xb3: {  	[dreg:$0x5] =	wrdreg $0x9  }
0xb4: {  	_ =	task.clear_ibuf [dreg:s9], $0x6FFFF;
	_ =	strace $0x90000046  }
0xb5: {  	s29 =	simm.s32 $0x9;
	_ =	strace $0x80000048  }
0xb6: {  	_ =	swait.ge [sflag:s29], $0x1  }
0xb7: {  	[sflag:s29] =	ssyncadd.s32 $0xFFFFFFFF  }
0xb8: {  	_ =	strace $0x90000048  }
0xb9: {  	_ =	sfence  }
0xba: {  	s30 =	sld [smem:$0x0];
	_ =	sdelay $0x2  }
0xbb: {  	s31 =	sshll.u32 s1, $0xD;
	s1 =	sshrl.u32 s1, $0x2  }
0xbc: {  	s3 =	sand.u32 $0x4000, s31;
	s1 =	sadd.s32 s1, s30  }
0xbd: {  	s0 =	sor.u32 s3, s0;
	s1 =	sshll.u32 s1, $0x11  }
0xbe: {  	s0 =	sor.u32 s1, s0  }
0xbf: {  	s0 =	sadd.s32 $0x8F2B, s0  }
0xc0: {  	[sflag:s0] =	ssyncadd.remote.s32 $0x1  }
0xc1: {  	_ =	sfence.sel $0xFFFF  }
0xc2: {  	[dreg:$0x0] =	wrdreg $0xFFFFFFFF;
	(pc) =	sbr.abs _section_cstart, $3  }
0xc3: {  	[dreg:$0x1] =	wrdreg $0xFFFFFFFF  }
0xc4: {  	_ =	task.clear_ibuf [dreg:s9], $0x2FFFF;
	_ =	strace $0x9FFFFFFF  }
0xc5: {  	(tm) =	ssettm $0x7FFFFFFF  }
tec
execute0_lowered:
.L_overlay_start_1:
0x0: {  	(tag) =	ssettag $0x1  }
0x1: {  	s0 =	rddreg [dreg:$0x0]  }
0x2: {  	s1 =	rddreg [dreg:$0x1]  }
0x3: {  	s2 =	rddreg [dreg:$0x2];
	s4 =	srdreg.scid;
	s3 =	simm.s32 $0x0  }
0x4: {  	s9 =	stileid.u32;
	s13 =	simm.s32 $0x400;
	s30 =	simm.s32 $0x8400  }
0x5: {  	s18 =	simm.s32 $0xEC00;
	s19 =	simm.s32 $0xF400;
	s20 =	simm.s32 $0xFC00  }
0x6: {  	s21 =	simm.s32 $0x10400;
	s29 =	simm.s32 $0x13C00;
	s31 =	simm.s32 $0x14400  }
0x7: {  	s22 =	simm.s32 $0x17C00;
	s12 =	simm.s32 $0x1;
	s23 =	simm.s32 $0x4  }
0x8: {  	s14 =	simm.s32 $0x2;
	s15 =	simm.s32 $0x3;
	s17 =	simm.s32 $0x0  }
0x9: {  	s4 =	sand.u32 $0x1, s4;
	s6 =	sshll.u32 s9, $0xB;
	[smem:$0x7FF] =	sst s3  }
0xa: {  	s26 =	sshll.u32 s9, $0x12;
	s9 =	simm.s32 $0x16C00;
	s5 =	ssub.s32 $0x2, s4  }
0xb: {  	s7 =	sshll.u32 s4, $0xA;
	_ =	strace $0x80000047;
	s28 =	sshll.u32 s4, $0x11  }
0xc: {  	s4 =	simm.s32 $0x15C00;
	s8 =	sshrl.u32 s5, $0x1;
	s6 =	sor.u32 s7, s6  }
0xd: {  	s7 =	sadd.s32 $0x300, s1;
	s8 =	ssub.s32 s5, s8;
	s24 =	sshrl.u32 s6, $0x3  }
0xe: {  	s5 =	sadd.s32 $0x100, s1;
	s25 =	sshll.u32 s6, $0x7;
	s6 =	sadd.s32 $0x200, s1  }
0xf: {  	s0 =	sadd.s32 s0, s24;
	s8 =	smax.u32 s8, $0x1;
	s24 =	simm.s32 $0x5  }
.Ltmp0:
0x10: {  	[dreg:$0x4] =	wrdreg s0;
	s0 =	sadd.s32 s25, s2;
	(pc) =	sbr.rel .LBB2_1-.Ltmp0, $4  }
0x11: {  	[dreg:$0x7] =	wrdreg s8;
	s8 =	simm.s32 $0x16400;
	s10 =	sadd.s32 $0x1E000, s0  }
0x12: {  	v2 =	vlaneseq.u32;
	s25 =	simm.s32 $0x6;
	s0 =	sadd.s32 $0x1F000, s0;
	[dreg:$0x5] =	wrdreg s10  }
0x13: {  	vm0 =	vmmov $0xffff;
	v1 =	vshrl.u32 v2, $0x3;
	[dreg:$0x6] =	wrdreg s0;
	s0 =	sadd.s32 s26, s2;
	s2 =	simm.s32 $0x15400  }
0x14: {  	v0 =	vand.u32 $0x7, v2;
	v2 =	vor.u32 $0x8, v2;
	v1 =	vmul.u32 $0x8, v1;
	s10 =	simm.s32 $0x17400;
	s11 =	sadd.s32 s28, s0;
	s0 =	simm.s32 $0x14C00  }
.LBB2_4:
0x15: {  	_ =	swait.ge [sflag:s12], $0x8000  }
0x16: {  	[sflag:s12] =	ssyncset.done $0x0  }
0x17: {  	s16 =	rddreg [dreg:$0x5];
	[sflag:s12] =	ssyncadd.s32 $0xFFFF8000  }
0x18: {  	[hbm4b:s16+s3] =	stream.linear.scatter [tilespmem:s13], [sflag:$0x4], $0x8000, $0x38;
	[tilespmem:$0x18400] =	vst v63  }
0x19: {  	_ =	swait.ge [sflag:s23], $0x8000  }
0x1a: {  	[sflag:s23] =	ssyncset.done $0x0  }
0x1b: {  	[sflag:s23] =	ssyncadd.s32 $0xFFFF8000  }
0x1c: {  	_ =	swait.ge [sflag:s14], $0x8000  }
0x1d: {  	[sflag:s14] =	ssyncset.done $0x0  }
0x1e: {  	s26 =	rddreg [dreg:$0x6];
	[sflag:s14] =	ssyncadd.s32 $0xFFFF8000  }
0x1f: {  	[hbm4b:s26+s3] =	stream.linear.scatter [tilespmem:s30], [sflag:$0x5], $0x8000, $0x38;
	[tilespmem:$0x18400] =	vst v63  }
0x20: {  	_ =	swait.ge [sflag:s24], $0x8000  }
0x21: {  	s17 =	rddreg [dreg:$0x8]  }
0x22: {  	s28 =	rddreg [dreg:$0x7];
	s17 =	sadd.s32 $0x1, s17  }
0x23: {  	p0 =	sne.s32 s17, s28  }
.Ltmp1:
0x24: {  	_ = 	snop;
	(pc) =	sbr.rel @!p0 .LBB2_5-.Ltmp1, $3  }
0x25: {  	_ =	sdelay $0x1  }
0x26: {  	[sflag:s24] =	ssyncset.done $0x0  }
0x27: {  	[sflag:s24] =	ssyncadd.s32 $0xFFFF8000  }
.LBB2_1:
0x28: {  	[dreg:$0x8] =	wrdreg s17  }
0x29: {  	s16 =	rddreg [dreg:$0x4];
	s28 =	simm.s32 $0x7  }
0x2a: {  	[tilespmem:s3], [sflag:$0x7] =	stream.linear.gather [hbm4b:s16+s3], $0x400, $0x38;
	[tilespmem:$0x18400] =	vst v63  }
0x2b: {  	_ =	swait.ge [sflag:s28], $0x400  }
0x2c: {  	[sflag:s28] =	ssyncset.done $0x0  }
0x2d: {  	[sflag:s28] =	ssyncadd.s32 $0xFFFFFC00  }
0x2e: {  	v3 =	vld [tilespmem:$0x0];
	_ =	sdelay $0x4  }
0x2f: {  	v4 =	vshll.u32 v3, $0x3  }
0x30: {  	v3 =	vand.u32 $0x7, v3;
	v4 =	vand.u32 $0xFFFFFFC0, v4  }
0x31: {  	v3 =	vor.u32 v3, v4  }
0x32: {  	v4 =	vperm.xlane v3, v0;
	_ =	sdelay $0x1  }
0x33: {  	v4 =	vadd.s32 v1, v4;
	_ =	sdelay $0x4  }
0x34: {  	[tilespmem:s13], [sflag:$0x1] =	stream.indirect_vreg.gather [hbm4b:s1+s3], $0x80, v4, vm0, $0xb8;
	[tilespmem:$0x18400] =	vst v63  }
0x35: {  	s17 =	simm.s32 $0xC00;
	v3 =	vperm.xlane v3, v2  }
0x36: {  	[tilespmem:s17], [sflag:$0x1] =	stream.indirect_vreg.gather [hbm4b:s5+s3], $0x80, v4, vm0, $0xb8;
	[tilespmem:$0x18400] =	vst v63  }
0x37: {  	s26 =	simm.s32 $0x1400;
	v3 =	vadd.s32 v1, v3  }
0x38: {  	[tilespmem:s26], [sflag:$0x1] =	stream.indirect_vreg.gather [hbm4b:s6+s3], $0x80, v4, vm0, $0xb8;
	[tilespmem:$0x18400] =	vst v63  }
0x39: {  	s28 =	simm.s32 $0x1C00  }
0x3a: {  	[tilespmem:s28], [sflag:$0x1] =	stream.indirect_vreg.gather [hbm4b:s7+s3], $0x80, v4, vm0, $0xb8;
	[tilespmem:$0x18400] =	vst v63  }
0x3b: {  	s17 =	simm.s32 $0x2400  }
0x3c: {  	[tilespmem:s17], [sflag:$0x1] =	stream.indirect_vreg.gather [hbm4b:s1+s3], $0x80, v3, vm0, $0xb8;
	[tilespmem:$0x18400] =	vst v63  }
0x3d: {  	s26 =	simm.s32 $0x2C00  }
0x3e: {  	[tilespmem:s26], [sflag:$0x1] =	stream.indirect_vreg.gather [hbm4b:s5+s3], $0x80, v3, vm0, $0xb8;
	[tilespmem:$0x18400] =	vst v63  }
0x3f: {  	s28 =	simm.s32 $0x3400  }
0x40: {  	[tilespmem:s28], [sflag:$0x1] =	stream.indirect_vreg.gather [hbm4b:s6+s3], $0x80, v3, vm0, $0xb8;
	[tilespmem:$0x18400] =	vst v63  }
0x41: {  	s17 =	simm.s32 $0x3C00  }
0x42: {  	[tilespmem:s17], [sflag:$0x1] =	stream.indirect_vreg.gather [hbm4b:s7+s3], $0x80, v3, vm0, $0xb8;
	[tilespmem:$0x18400] =	vst v63  }
0x43: {  	v3 =	vld [tilespmem:$0x10];
	_ =	sdelay $0x4  }
0x44: {  	v59 =	vshll.u32 v3, $0x3  }
0x45: {  	v3 =	vand.u32 $0x7, v3;
	v4 =	vand.u32 $0xFFFFFFC0, v59  }
0x46: {  	v3 =	vor.u32 v3, v4  }
0x47: {  	v4 =	vperm.xlane v3, v0;
	_ =	sdelay $0x1  }
0x48: {  	v4 =	vadd.s32 v1, v4;
	_ =	sdelay $0x3  }
0x49: {  	s26 =	simm.s32 $0x4400  }
0x4a: {  	[tilespmem:s26], [sflag:$0x1] =	stream.indirect_vreg.gather [hbm4b:s1+s3], $0x80, v4, vm0, $0xb8;
	[tilespmem:$0x18400] =	vst v63  }
0x4b: {  	s28 =	simm.s32 $0x4C00;
	v3 =	vperm.xlane v3, v2  }
0x4c: {  	[tilespmem:s28], [sflag:$0x1] =	stream.indirect_vreg.gather [hbm4b:s5+s3], $0x80, v4, vm0, $0xb8;
	[tilespmem:$0x18400] =	vst v63  }
0x4d: {  	s17 =	simm.s32 $0x5400;
	v3 =	vadd.s32 v1, v3  }
0x4e: {  	[tilespmem:s17], [sflag:$0x1] =	stream.indirect_vreg.gather [hbm4b:s6+s3], $0x80, v4, vm0, $0xb8;
	[tilespmem:$0x18400] =	vst v63  }
0x4f: {  	s26 =	simm.s32 $0x5C00  }
0x50: {  	[tilespmem:s26], [sflag:$0x1] =	stream.indirect_vreg.gather [hbm4b:s7+s3], $0x80, v4, vm0, $0xb8;
	[tilespmem:$0x18400] =	vst v63  }
0x51: {  	s28 =	simm.s32 $0x6400  }
0x52: {  	[tilespmem:s28], [sflag:$0x1] =	stream.indirect_vreg.gather [hbm4b:s1+s3], $0x80, v3, vm0, $0xb8;
	[tilespmem:$0x18400] =	vst v63  }
0x53: {  	s17 =	simm.s32 $0x6C00  }
0x54: {  	[tilespmem:s17], [sflag:$0x1] =	stream.indirect_vreg.gather [hbm4b:s5+s3], $0x80, v3, vm0, $0xb8;
	[tilespmem:$0x18400] =	vst v63  }
0x55: {  	s26 =	simm.s32 $0x7400  }
0x56: {  	[tilespmem:s26], [sflag:$0x1] =	stream.indirect_vreg.gather [hbm4b:s6+s3], $0x80, v3, vm0, $0xb8;
	[tilespmem:$0x18400] =	vst v63  }
0x57: {  	s28 =	simm.s32 $0x7C00  }
0x58: {  	[tilespmem:s28], [sflag:$0x1] =	stream.indirect_vreg.gather [hbm4b:s7+s3], $0x80, v3, vm0, $0xb8;
	[tilespmem:$0x18400] =	vst v63  }
0x59: {  	v3 =	vld [tilespmem:$0x20];
	_ =	sdelay $0x4  }
0x5a: {  	v60 =	vshll.u32 v3, $0x3  }
0x5b: {  	v3 =	vand.u32 $0x7, v3;
	v4 =	vand.u32 $0xFFFFFFC0, v60  }
0x5c: {  	v3 =	vor.u32 v3, v4  }
0x5d: {  	v4 =	vperm.xlane v3, v0;
	_ =	sdelay $0x1  }
0x5e: {  	v4 =	vadd.s32 v1, v4;
	_ =	sdelay $0x4  }
0x5f: {  	[tilespmem:s30], [sflag:$0x2] =	stream.indirect_vreg.gather [hbm4b:s1+s3], $0x80, v4, vm0, $0xb8;
	[tilespmem:$0x18400] =	vst v63  }
0x60: {  	s17 =	simm.s32 $0x8C00;
	v3 =	vperm.xlane v3, v2  }
0x61: {  	[tilespmem:s17], [sflag:$0x2] =	stream.indirect_vreg.gather [hbm4b:s5+s3], $0x80, v4, vm0, $0xb8;
	[tilespmem:$0x18400] =	vst v63  }
0x62: {  	s26 =	simm.s32 $0x9400;
	v3 =	vadd.s32 v1, v3  }
0x63: {  	[tilespmem:s26], [sflag:$0x2] =	stream.indirect_vreg.gather [hbm4b:s6+s3], $0x80, v4, vm0, $0xb8;
	[tilespmem:$0x18400] =	vst v63  }
0x64: {  	s28 =	simm.s32 $0x9C00  }
0x65: {  	[tilespmem:s28], [sflag:$0x2] =	stream.indirect_vreg.gather [hbm4b:s7+s3], $0x80, v4, vm0, $0xb8;
	[tilespmem:$0x18400] =	vst v63  }
0x66: {  	s17 =	simm.s32 $0xA400  }
0x67: {  	[tilespmem:s17], [sflag:$0x2] =	stream.indirect_vreg.gather [hbm4b:s1+s3], $0x80, v3, vm0, $0xb8;
	[tilespmem:$0x18400] =	vst v63  }
0x68: {  	s26 =	simm.s32 $0xAC00  }
0x69: {  	[tilespmem:s26], [sflag:$0x2] =	stream.indirect_vreg.gather [hbm4b:s5+s3], $0x80, v3, vm0, $0xb8;
	[tilespmem:$0x18400] =	vst v63  }
0x6a: {  	s28 =	simm.s32 $0xB400  }
0x6b: {  	[tilespmem:s28], [sflag:$0x2] =	stream.indirect_vreg.gather [hbm4b:s6+s3], $0x80, v3, vm0, $0xb8;
	[tilespmem:$0x18400] =	vst v63  }
0x6c: {  	s17 =	simm.s32 $0xBC00  }
0x6d: {  	[tilespmem:s17], [sflag:$0x2] =	stream.indirect_vreg.gather [hbm4b:s7+s3], $0x80, v3, vm0, $0xb8;
	[tilespmem:$0x18400] =	vst v63  }
0x6e: {  	v3 =	vld [tilespmem:$0x30];
	_ =	sdelay $0x4  }
0x6f: {  	v61 =	vshll.u32 v3, $0x3  }
0x70: {  	v3 =	vand.u32 $0x7, v3;
	v4 =	vand.u32 $0xFFFFFFC0, v61  }
0x71: {  	v3 =	vor.u32 v3, v4  }
0x72: {  	v4 =	vperm.xlane v3, v0;
	_ =	sdelay $0x1  }
0x73: {  	v4 =	vadd.s32 v1, v4;
	_ =	sdelay $0x3  }
0x74: {  	s26 =	simm.s32 $0xC400  }
0x75: {  	[tilespmem:s26], [sflag:$0x2] =	stream.indirect_vreg.gather [hbm4b:s1+s3], $0x80, v4, vm0, $0xb8;
	[tilespmem:$0x18400] =	vst v63  }
0x76: {  	s28 =	simm.s32 $0xCC00;
	v3 =	vperm.xlane v3, v2  }
0x77: {  	[tilespmem:s28], [sflag:$0x2] =	stream.indirect_vreg.gather [hbm4b:s5+s3], $0x80, v4, vm0, $0xb8;
	[tilespmem:$0x18400] =	vst v63  }
0x78: {  	s17 =	simm.s32 $0xD400;
	v3 =	vadd.s32 v1, v3  }
0x79: {  	[tilespmem:s17], [sflag:$0x2] =	stream.indirect_vreg.gather [hbm4b:s6+s3], $0x80, v4, vm0, $0xb8;
	[tilespmem:$0x18400] =	vst v63  }
0x7a: {  	s26 =	simm.s32 $0xDC00  }
0x7b: {  	[tilespmem:s26], [sflag:$0x2] =	stream.indirect_vreg.gather [hbm4b:s7+s3], $0x80, v4, vm0, $0xb8;
	[tilespmem:$0x18400] =	vst v63  }
0x7c: {  	s28 =	simm.s32 $0xE400  }
0x7d: {  	[tilespmem:s28], [sflag:$0x2] =	stream.indirect_vreg.gather [hbm4b:s1+s3], $0x80, v3, vm0, $0xb8;
	[tilespmem:$0x18400] =	vst v63  }
0x7e: {  	_ = 	snop  }
0x7f: {  	[tilespmem:s18], [sflag:$0x2] =	stream.indirect_vreg.gather [hbm4b:s5+s3], $0x80, v3, vm0, $0xb8;
	[tilespmem:$0x18400] =	vst v63  }
0x80: {  	_ = 	snop  }
0x81: {  	[tilespmem:s19], [sflag:$0x2] =	stream.indirect_vreg.gather [hbm4b:s6+s3], $0x80, v3, vm0, $0xb8;
	[tilespmem:$0x18400] =	vst v63  }
0x82: {  	_ = 	snop  }
0x83: {  	[tilespmem:s20], [sflag:$0x2] =	stream.indirect_vreg.gather [hbm4b:s7+s3], $0x80, v3, vm0, $0xb8;
	[tilespmem:$0x18400] =	vst v63  }
0x84: {  	v3 =	vld [tilespmem:$0x40];
	_ =	sdelay $0x4  }
0x85: {  	v62 =	vshll.u32 v3, $0x3  }
0x86: {  	v3 =	vand.u32 $0x7, v3;
	v4 =	vand.u32 $0xFFFFFFC0, v62  }
0x87: {  	v3 =	vor.u32 v3, v4  }
0x88: {  	v4 =	vperm.xlane v3, v0;
	_ =	sdelay $0x1  }
0x89: {  	v4 =	vadd.s32 v1, v4;
	_ =	sdelay $0x4  }
0x8a: {  	[tilespmem:s21], [sflag:$0x3] =	stream.indirect_vreg.gather [hbm4b:s1+s3], $0x80, v4, vm0, $0xb8;
	[tilespmem:$0x18400] =	vst v63  }
0x8b: {  	s17 =	simm.s32 $0x10C00;
	v3 =	vperm.xlane v3, v2  }
0x8c: {  	[tilespmem:s17], [sflag:$0x3] =	stream.indirect_vreg.gather [hbm4b:s5+s3], $0x80, v4, vm0, $0xb8;
	[tilespmem:$0x18400] =	vst v63  }
0x8d: {  	s26 =	simm.s32 $0x11400;
	v3 =	vadd.s32 v1, v3  }
0x8e: {  	[tilespmem:s26], [sflag:$0x3] =	stream.indirect_vreg.gather [hbm4b:s6+s3], $0x80, v4, vm0, $0xb8;
	[tilespmem:$0x18400] =	vst v63  }
0x8f: {  	s28 =	simm.s32 $0x11C00  }
0x90: {  	[tilespmem:s28], [sflag:$0x3] =	stream.indirect_vreg.gather [hbm4b:s7+s3], $0x80, v4, vm0, $0xb8;
	[tilespmem:$0x18400] =	vst v63  }
0x91: {  	s17 =	simm.s32 $0x12400  }
0x92: {  	[tilespmem:s17], [sflag:$0x3] =	stream.indirect_vreg.gather [hbm4b:s1+s3], $0x80, v3, vm0, $0xb8;
	[tilespmem:$0x18400] =	vst v63  }
0x93: {  	s26 =	simm.s32 $0x12C00  }
0x94: {  	[tilespmem:s26], [sflag:$0x3] =	stream.indirect_vreg.gather [hbm4b:s5+s3], $0x80, v3, vm0, $0xb8;
	[tilespmem:$0x18400] =	vst v63  }
0x95: {  	s28 =	simm.s32 $0x13400  }
0x96: {  	[tilespmem:s28], [sflag:$0x3] =	stream.indirect_vreg.gather [hbm4b:s6+s3], $0x80, v3, vm0, $0xb8;
	[tilespmem:$0x18400] =	vst v63  }
0x97: {  	_ = 	snop  }
0x98: {  	[tilespmem:s29], [sflag:$0x3] =	stream.indirect_vreg.gather [hbm4b:s7+s3], $0x80, v3, vm0, $0xb8;
	[tilespmem:$0x18400] =	vst v63  }
0x99: {  	v3 =	vld [tilespmem:$0x50];
	_ =	sdelay $0x4  }
0x9a: {  	v63 =	vshll.u32 v3, $0x3  }
0x9b: {  	v3 =	vand.u32 $0x7, v3;
	v4 =	vand.u32 $0xFFFFFFC0, v63  }
0x9c: {  	v3 =	vor.u32 v3, v4  }
0x9d: {  	v4 =	vperm.xlane v3, v0;
	_ =	sdelay $0x1  }
0x9e: {  	v4 =	vadd.s32 v1, v4;
	_ =	sdelay $0x4  }
0x9f: {  	[tilespmem:s31], [sflag:$0x3] =	stream.indirect_vreg.gather [hbm4b:s1+s3], $0x80, v4, vm0, $0xb8;
	[tilespmem:$0x18400] =	vst v63  }
0xa0: {  	v3 =	vperm.xlane v3, v2  }
0xa1: {  	[tilespmem:s0], [sflag:$0x3] =	stream.indirect_vreg.gather [hbm4b:s5+s3], $0x80, v4, vm0, $0xb8;
	[tilespmem:$0x18400] =	vst v63  }
0xa2: {  	v3 =	vadd.s32 v1, v3  }
0xa3: {  	[tilespmem:s2], [sflag:$0x3] =	stream.indirect_vreg.gather [hbm4b:s6+s3], $0x80, v4, vm0, $0xb8;
	[tilespmem:$0x18400] =	vst v63  }
0xa4: {  	_ = 	snop  }
0xa5: {  	[tilespmem:s4], [sflag:$0x3] =	stream.indirect_vreg.gather [hbm4b:s7+s3], $0x80, v4, vm0, $0xb8;
	[tilespmem:$0x18400] =	vst v63  }
0xa6: {  	_ = 	snop  }
0xa7: {  	[tilespmem:s8], [sflag:$0x3] =	stream.indirect_vreg.gather [hbm4b:s1+s3], $0x80, v3, vm0, $0xb8;
	[tilespmem:$0x18400] =	vst v63  }
0xa8: {  	_ = 	snop  }
0xa9: {  	[tilespmem:s9], [sflag:$0x3] =	stream.indirect_vreg.gather [hbm4b:s5+s3], $0x80, v3, vm0, $0xb8;
	[tilespmem:$0x18400] =	vst v63  }
0xaa: {  	_ = 	snop  }
0xab: {  	[tilespmem:s10], [sflag:$0x3] =	stream.indirect_vreg.gather [hbm4b:s6+s3], $0x80, v3, vm0, $0xb8;
	[tilespmem:$0x18400] =	vst v63  }
0xac: {  	s16 =	simm.s32 $0xB0;
	s26 =	simm.s32 $0x0  }
0xad: {  	[tilespmem:s22], [sflag:$0x3] =	stream.indirect_vreg.gather [hbm4b:s7+s3], $0x80, v3, vm0, $0xb8;
	[tilespmem:$0x18400] =	vst v63  }
.LBB2_2:
0xae: {  	_ =	swait.ge [sflag:s12], $0x8000  }
0xaf: {  	[sflag:s12] =	ssyncset.done $0x0  }
0xb0: {  	s17 =	sadd.s32 s26, s11;
	[sflag:s12] =	ssyncadd.s32 $0xFFFF8000  }
0xb1: {  	[hbm4b:s17+s3] =	stream.linear.scatter [tilespmem:s13], [sflag:$0x4], $0x8000, $0x38;
	[tilespmem:$0x18400] =	vst v63  }
0xb2: {  	_ =	swait.ge [sflag:s23], $0x8000  }
0xb3: {  	[sflag:s23] =	ssyncset.done $0x0  }
0xb4: {  	[sflag:s23] =	ssyncadd.s32 $0xFFFF8000  }
0xb5: {  	v3 =	vld [tilespmem:s16+$0xFFFFFFB0];
	_ =	sdelay $0x4  }
0xb6: {  	v4 =	vshll.u32 v3, $0x3  }
0xb7: {  	v3 =	vand.u32 $0x7, v3;
	v4 =	vand.u32 $0xFFFFFFC0, v4  }
0xb8: {  	v3 =	vor.u32 v3, v4  }
0xb9: {  	v4 =	vperm.xlane v3, v0;
	_ =	sdelay $0x1  }
0xba: {  	v4 =	vadd.s32 v1, v4;
	_ =	sdelay $0x4  }
0xbb: {  	[tilespmem:s13], [sflag:$0x1] =	stream.indirect_vreg.gather [hbm4b:s1+s3], $0x80, v4, vm0, $0xb8;
	[tilespmem:$0x18400] =	vst v63  }
0xbc: {  	s28 =	simm.s32 $0xC00;
	v3 =	vperm.xlane v3, v2  }
0xbd: {  	[tilespmem:s28], [sflag:$0x1] =	stream.indirect_vreg.gather [hbm4b:s5+s3], $0x80, v4, vm0, $0xb8;
	[tilespmem:$0x18400] =	vst v63  }
0xbe: {  	v3 =	vadd.s32 v1, v3;
	s28 =	simm.s32 $0x1400  }
0xbf: {  	[tilespmem:s28], [sflag:$0x1] =	stream.indirect_vreg.gather [hbm4b:s6+s3], $0x80, v4, vm0, $0xb8;
	[tilespmem:$0x18400] =	vst v63  }
0xc0: {  	s28 =	simm.s32 $0x1C00  }
0xc1: {  	[tilespmem:s28], [sflag:$0x1] =	stream.indirect_vreg.gather [hbm4b:s7+s3], $0x80, v4, vm0, $0xb8;
	[tilespmem:$0x18400] =	vst v63  }
0xc2: {  	s28 =	simm.s32 $0x2400  }
0xc3: {  	[tilespmem:s28], [sflag:$0x1] =	stream.indirect_vreg.gather [hbm4b:s1+s3], $0x80, v3, vm0, $0xb8;
	[tilespmem:$0x18400] =	vst v63  }
0xc4: {  	s28 =	simm.s32 $0x2C00  }
0xc5: {  	[tilespmem:s28], [sflag:$0x1] =	stream.indirect_vreg.gather [hbm4b:s5+s3], $0x80, v3, vm0, $0xb8;
	[tilespmem:$0x18400] =	vst v63  }
0xc6: {  	s28 =	simm.s32 $0x3400  }
0xc7: {  	[tilespmem:s28], [sflag:$0x1] =	stream.indirect_vreg.gather [hbm4b:s6+s3], $0x80, v3, vm0, $0xb8;
	[tilespmem:$0x18400] =	vst v63  }
0xc8: {  	s28 =	simm.s32 $0x3C00  }
0xc9: {  	[tilespmem:s28], [sflag:$0x1] =	stream.indirect_vreg.gather [hbm4b:s7+s3], $0x80, v3, vm0, $0xb8;
	[tilespmem:$0x18400] =	vst v63  }
0xca: {  	v3 =	vld [tilespmem:s16+$0xFFFFFFC0];
	_ =	sdelay $0x4  }
0xcb: {  	v61 =	vshll.u32 v3, $0x3  }
0xcc: {  	v3 =	vand.u32 $0x7, v3;
	v4 =	vand.u32 $0xFFFFFFC0, v61  }
0xcd: {  	v3 =	vor.u32 v3, v4  }
0xce: {  	v4 =	vperm.xlane v3, v0;
	_ =	sdelay $0x1  }
0xcf: {  	v4 =	vadd.s32 v1, v4;
	_ =	sdelay $0x3  }
0xd0: {  	s28 =	simm.s32 $0x4400  }
0xd1: {  	[tilespmem:s28], [sflag:$0x1] =	stream.indirect_vreg.gather [hbm4b:s1+s3], $0x80, v4, vm0, $0xb8;
	[tilespmem:$0x18400] =	vst v63  }
0xd2: {  	v3 =	vperm.xlane v3, v2;
	s28 =	simm.s32 $0x4C00  }
0xd3: {  	[tilespmem:s28], [sflag:$0x1] =	stream.indirect_vreg.gather [hbm4b:s5+s3], $0x80, v4, vm0, $0xb8;
	[tilespmem:$0x18400] =	vst v63  }
0xd4: {  	v3 =	vadd.s32 v1, v3;
	s28 =	simm.s32 $0x5400  }
0xd5: {  	[tilespmem:s28], [sflag:$0x1] =	stream.indirect_vreg.gather [hbm4b:s6+s3], $0x80, v4, vm0, $0xb8;
	[tilespmem:$0x18400] =	vst v63  }
0xd6: {  	s28 =	simm.s32 $0x5C00  }
0xd7: {  	[tilespmem:s28], [sflag:$0x1] =	stream.indirect_vreg.gather [hbm4b:s7+s3], $0x80, v4, vm0, $0xb8;
	[tilespmem:$0x18400] =	vst v63  }
0xd8: {  	s28 =	simm.s32 $0x6400  }
0xd9: {  	[tilespmem:s28], [sflag:$0x1] =	stream.indirect_vreg.gather [hbm4b:s1+s3], $0x80, v3, vm0, $0xb8;
	[tilespmem:$0x18400] =	vst v63  }
0xda: {  	s28 =	simm.s32 $0x6C00  }
0xdb: {  	[tilespmem:s28], [sflag:$0x1] =	stream.indirect_vreg.gather [hbm4b:s5+s3], $0x80, v3, vm0, $0xb8;
	[tilespmem:$0x18400] =	vst v63  }
0xdc: {  	s28 =	simm.s32 $0x7400  }
0xdd: {  	[tilespmem:s28], [sflag:$0x1] =	stream.indirect_vreg.gather [hbm4b:s6+s3], $0x80, v3, vm0, $0xb8;
	[tilespmem:$0x18400] =	vst v63  }
0xde: {  	s28 =	simm.s32 $0x7C00  }
0xdf: {  	[tilespmem:s28], [sflag:$0x1] =	stream.indirect_vreg.gather [hbm4b:s7+s3], $0x80, v3, vm0, $0xb8;
	[tilespmem:$0x18400] =	vst v63  }
0xe0: {  	_ =	swait.ge [sflag:s14], $0x8000  }
0xe1: {  	[sflag:s14] =	ssyncset.done $0x0  }
0xe2: {  	s28 =	sadd.s32 $0x1000, s17;
	[sflag:s14] =	ssyncadd.s32 $0xFFFF8000  }
0xe3: {  	[hbm4b:s28+s3] =	stream.linear.scatter [tilespmem:s30], [sflag:$0x5], $0x8000, $0x38;
	[tilespmem:$0x18400] =	vst v63  }
0xe4: {  	_ =	swait.ge [sflag:s24], $0x8000  }
0xe5: {  	[sflag:s24] =	ssyncset.done $0x0  }
0xe6: {  	[sflag:s24] =	ssyncadd.s32 $0xFFFF8000  }
0xe7: {  	v3 =	vld [tilespmem:s16+$0xFFFFFFD0];
	_ =	sdelay $0x4  }
0xe8: {  	v62 =	vshll.u32 v3, $0x3  }
0xe9: {  	v3 =	vand.u32 $0x7, v3;
	v4 =	vand.u32 $0xFFFFFFC0, v62  }
0xea: {  	v3 =	vor.u32 v3, v4  }
0xeb: {  	v4 =	vperm.xlane v3, v0;
	_ =	sdelay $0x1  }
0xec: {  	v4 =	vadd.s32 v1, v4;
	_ =	sdelay $0x4  }
0xed: {  	[tilespmem:s30], [sflag:$0x2] =	stream.indirect_vreg.gather [hbm4b:s1+s3], $0x80, v4, vm0, $0xb8;
	[tilespmem:$0x18400] =	vst v63  }
0xee: {  	s28 =	simm.s32 $0x8C00;
	v3 =	vperm.xlane v3, v2  }
0xef: {  	[tilespmem:s28], [sflag:$0x2] =	stream.indirect_vreg.gather [hbm4b:s5+s3], $0x80, v4, vm0, $0xb8;
	[tilespmem:$0x18400] =	vst v63  }
0xf0: {  	v3 =	vadd.s32 v1, v3;
	s28 =	simm.s32 $0x9400  }
0xf1: {  	[tilespmem:s28], [sflag:$0x2] =	stream.indirect_vreg.gather [hbm4b:s6+s3], $0x80, v4, vm0, $0xb8;
	[tilespmem:$0x18400] =	vst v63  }
0xf2: {  	s28 =	simm.s32 $0x9C00  }
0xf3: {  	[tilespmem:s28], [sflag:$0x2] =	stream.indirect_vreg.gather [hbm4b:s7+s3], $0x80, v4, vm0, $0xb8;
	[tilespmem:$0x18400] =	vst v63  }
0xf4: {  	s28 =	simm.s32 $0xA400  }
0xf5: {  	[tilespmem:s28], [sflag:$0x2] =	stream.indirect_vreg.gather [hbm4b:s1+s3], $0x80, v3, vm0, $0xb8;
	[tilespmem:$0x18400] =	vst v63  }
0xf6: {  	s28 =	simm.s32 $0xAC00  }
0xf7: {  	[tilespmem:s28], [sflag:$0x2] =	stream.indirect_vreg.gather [hbm4b:s5+s3], $0x80, v3, vm0, $0xb8;
	[tilespmem:$0x18400] =	vst v63  }
0xf8: {  	s28 =	simm.s32 $0xB400  }
0xf9: {  	[tilespmem:s28], [sflag:$0x2] =	stream.indirect_vreg.gather [hbm4b:s6+s3], $0x80, v3, vm0, $0xb8;
	[tilespmem:$0x18400] =	vst v63  }
0xfa: {  	s28 =	simm.s32 $0xBC00  }
0xfb: {  	[tilespmem:s28], [sflag:$0x2] =	stream.indirect_vreg.gather [hbm4b:s7+s3], $0x80, v3, vm0, $0xb8;
	[tilespmem:$0x18400] =	vst v63  }
0xfc: {  	v3 =	vld [tilespmem:s16+$0xFFFFFFE0];
	_ =	sdelay $0x4  }
0xfd: {  	v63 =	vshll.u32 v3, $0x3  }
0xfe: {  	v3 =	vand.u32 $0x7, v3;
	v4 =	vand.u32 $0xFFFFFFC0, v63  }
0xff: {  	v3 =	vor.u32 v3, v4  }
0x100: {  	v4 =	vperm.xlane v3, v0;
	_ =	sdelay $0x1  }
0x101: {  	v4 =	vadd.s32 v1, v4;
	_ =	sdelay $0x3  }
0x102: {  	s28 =	simm.s32 $0xC400  }
0x103: {  	[tilespmem:s28], [sflag:$0x2] =	stream.indirect_vreg.gather [hbm4b:s1+s3], $0x80, v4, vm0, $0xb8;
	[tilespmem:$0x18400] =	vst v63  }
0x104: {  	v3 =	vperm.xlane v3, v2;
	s28 =	simm.s32 $0xCC00  }
0x105: {  	[tilespmem:s28], [sflag:$0x2] =	stream.indirect_vreg.gather [hbm4b:s5+s3], $0x80, v4, vm0, $0xb8;
	[tilespmem:$0x18400] =	vst v63  }
0x106: {  	v3 =	vadd.s32 v1, v3;
	s28 =	simm.s32 $0xD400  }
0x107: {  	[tilespmem:s28], [sflag:$0x2] =	stream.indirect_vreg.gather [hbm4b:s6+s3], $0x80, v4, vm0, $0xb8;
	[tilespmem:$0x18400] =	vst v63  }
0x108: {  	s28 =	simm.s32 $0xDC00  }
0x109: {  	[tilespmem:s28], [sflag:$0x2] =	stream.indirect_vreg.gather [hbm4b:s7+s3], $0x80, v4, vm0, $0xb8;
	[tilespmem:$0x18400] =	vst v63  }
0x10a: {  	s28 =	simm.s32 $0xE400  }
0x10b: {  	[tilespmem:s28], [sflag:$0x2] =	stream.indirect_vreg.gather [hbm4b:s1+s3], $0x80, v3, vm0, $0xb8;
	[tilespmem:$0x18400] =	vst v63  }
0x10c: {  	_ = 	snop  }
0x10d: {  	[tilespmem:s18], [sflag:$0x2] =	stream.indirect_vreg.gather [hbm4b:s5+s3], $0x80, v3, vm0, $0xb8;
	[tilespmem:$0x18400] =	vst v63  }
0x10e: {  	_ = 	snop  }
0x10f: {  	[tilespmem:s19], [sflag:$0x2] =	stream.indirect_vreg.gather [hbm4b:s6+s3], $0x80, v3, vm0, $0xb8;
	[tilespmem:$0x18400] =	vst v63  }
0x110: {  	_ = 	snop  }
0x111: {  	[tilespmem:s20], [sflag:$0x2] =	stream.indirect_vreg.gather [hbm4b:s7+s3], $0x80, v3, vm0, $0xb8;
	[tilespmem:$0x18400] =	vst v63  }
0x112: {  	_ =	swait.ge [sflag:s15], $0x8000  }
0x113: {  	p0 =	seq.s32 s26, $0x1B000;
	[sflag:s15] =	ssyncset.done $0x0  }
.Ltmp2:
0x114: {  	s17 =	sadd.s32 $0x2000, s17;
	[sflag:s15] =	ssyncadd.s32 $0xFFFF8000;
	(pc) =	sbr.rel @p0 .LBB2_4-.Ltmp2, $4  }
0x115: {  	[hbm4b:s17+s3] =	stream.linear.scatter [tilespmem:s21], [sflag:$0x6], $0x8000, $0x38;
	[tilespmem:$0x18400] =	vst v63  }
0x116: {  	_ =	swait.ge [sflag:s25], $0x8000  }
0x117: {  	[sflag:s25] =	ssyncset.done $0x0  }
0x118: {  	[sflag:s25] =	ssyncadd.s32 $0xFFFF8000  }
0x119: {  	v3 =	vld [tilespmem:s16+$0xFFFFFFF0];
	_ =	sdelay $0x4  }
0x11a: {  	v4 =	vshll.u32 v3, $0x3  }
0x11b: {  	v3 =	vand.u32 $0x7, v3;
	v4 =	vand.u32 $0xFFFFFFC0, v4  }
0x11c: {  	v3 =	vor.u32 v3, v4  }
0x11d: {  	v4 =	vperm.xlane v3, v0;
	_ =	sdelay $0x1  }
0x11e: {  	v4 =	vadd.s32 v1, v4;
	_ =	sdelay $0x4  }
0x11f: {  	[tilespmem:s21], [sflag:$0x3] =	stream.indirect_vreg.gather [hbm4b:s1+s3], $0x80, v4, vm0, $0xb8;
	[tilespmem:$0x18400] =	vst v63  }
0x120: {  	s17 =	simm.s32 $0x10C00;
	v3 =	vperm.xlane v3, v2  }
0x121: {  	[tilespmem:s17], [sflag:$0x3] =	stream.indirect_vreg.gather [hbm4b:s5+s3], $0x80, v4, vm0, $0xb8;
	[tilespmem:$0x18400] =	vst v63  }
0x122: {  	s28 =	simm.s32 $0x11400;
	v3 =	vadd.s32 v1, v3  }
0x123: {  	[tilespmem:s28], [sflag:$0x3] =	stream.indirect_vreg.gather [hbm4b:s6+s3], $0x80, v4, vm0, $0xb8;
	[tilespmem:$0x18400] =	vst v63  }
0x124: {  	s28 =	simm.s32 $0x11C00  }
0x125: {  	[tilespmem:s28], [sflag:$0x3] =	stream.indirect_vreg.gather [hbm4b:s7+s3], $0x80, v4, vm0, $0xb8;
	[tilespmem:$0x18400] =	vst v63  }
0x126: {  	s28 =	simm.s32 $0x12400  }
0x127: {  	[tilespmem:s28], [sflag:$0x3] =	stream.indirect_vreg.gather [hbm4b:s1+s3], $0x80, v3, vm0, $0xb8;
	[tilespmem:$0x18400] =	vst v63  }
0x128: {  	s28 =	simm.s32 $0x12C00  }
0x129: {  	[tilespmem:s28], [sflag:$0x3] =	stream.indirect_vreg.gather [hbm4b:s5+s3], $0x80, v3, vm0, $0xb8;
	[tilespmem:$0x18400] =	vst v63  }
0x12a: {  	s28 =	simm.s32 $0x13400  }
0x12b: {  	[tilespmem:s28], [sflag:$0x3] =	stream.indirect_vreg.gather [hbm4b:s6+s3], $0x80, v3, vm0, $0xb8;
	[tilespmem:$0x18400] =	vst v63  }
0x12c: {  	_ = 	snop  }
0x12d: {  	[tilespmem:s29], [sflag:$0x3] =	stream.indirect_vreg.gather [hbm4b:s7+s3], $0x80, v3, vm0, $0xb8;
	[tilespmem:$0x18400] =	vst v63  }
0x12e: {  	v3 =	vld [tilespmem:s16+$0x0];
	_ =	sdelay $0x4  }
0x12f: {  	v63 =	vshll.u32 v3, $0x3  }
0x130: {  	v3 =	vand.u32 $0x7, v3;
	v4 =	vand.u32 $0xFFFFFFC0, v63  }
0x131: {  	v3 =	vor.u32 v3, v4  }
0x132: {  	v4 =	vperm.xlane v3, v0;
	_ =	sdelay $0x1  }
0x133: {  	v4 =	vadd.s32 v1, v4;
	_ =	sdelay $0x4  }
0x134: {  	[tilespmem:s31], [sflag:$0x3] =	stream.indirect_vreg.gather [hbm4b:s1+s3], $0x80, v4, vm0, $0xb8;
	[tilespmem:$0x18400] =	vst v63  }
0x135: {  	v3 =	vperm.xlane v3, v2  }
0x136: {  	[tilespmem:s0], [sflag:$0x3] =	stream.indirect_vreg.gather [hbm4b:s5+s3], $0x80, v4, vm0, $0xb8;
	[tilespmem:$0x18400] =	vst v63  }
0x137: {  	v3 =	vadd.s32 v1, v3  }
0x138: {  	[tilespmem:s2], [sflag:$0x3] =	stream.indirect_vreg.gather [hbm4b:s6+s3], $0x80, v4, vm0, $0xb8;
	[tilespmem:$0x18400] =	vst v63  }
0x139: {  	_ = 	snop  }
0x13a: {  	[tilespmem:s4], [sflag:$0x3] =	stream.indirect_vreg.gather [hbm4b:s7+s3], $0x80, v4, vm0, $0xb8;
	[tilespmem:$0x18400] =	vst v63  }
0x13b: {  	_ = 	snop  }
0x13c: {  	[tilespmem:s8], [sflag:$0x3] =	stream.indirect_vreg.gather [hbm4b:s1+s3], $0x80, v3, vm0, $0xb8;
	[tilespmem:$0x18400] =	vst v63  }
0x13d: {  	_ = 	snop  }
0x13e: {  	[tilespmem:s9], [sflag:$0x3] =	stream.indirect_vreg.gather [hbm4b:s5+s3], $0x80, v3, vm0, $0xb8;
	[tilespmem:$0x18400] =	vst v63  }
.Ltmp3:
0x13f: {  	_ = 	snop;
	(pc) =	sbr.rel .LBB2_2-.Ltmp3, $4  }
0x140: {  	_ = 	snop  }
0x141: {  	[tilespmem:s10], [sflag:$0x3] =	stream.indirect_vreg.gather [hbm4b:s6+s3], $0x80, v3, vm0, $0xb8;
	[tilespmem:$0x18400] =	vst v63  }
0x142: {  	s26 =	sadd.s32 $0x3000, s26;
	s16 =	sadd.s32 $0x60, s16  }
0x143: {  	[tilespmem:s22], [sflag:$0x3] =	stream.indirect_vreg.gather [hbm4b:s7+s3], $0x80, v3, vm0, $0xb8;
	[tilespmem:$0x18400] =	vst v63  }
.LBB2_5:
0x144: {  	_ =	sfence.sel $0x180000  }
0x145: {  	[bflag:$0x0] =	sbarrier.arrive $0xFFFF  }
0x146: {  	_ =	strace $0x90000047  }
0x147: {  	s0 =	stileid.u32;
	[bflag:$0x2] =	sbarrier.arrive $0xFFFF  }
0x148: {  	p0 =	sne.s32 s0, $0x0;
	s0 =	rddreg [dreg:$0x3]  }
0x149: {  	s0 =	sadd.s32 @!p0 $0x100000, s0  }
0x14a: {  	[sflag:s0] =	ssyncadd.tile.s32 @!p0 $0x1;
	_ =	shalt  }
.Lfunc_end2:
_tile_overlayer_lowered:
.L_overlay_start_2:
0x14b: {  	(tag) =	ssettag $0x2  }
0x14c: {  	s0 =	rddreg [dreg:$0x0];
	s2 =	stileid.u32  }
0x14d: {  	s1 =	rddreg [dreg:$0x1];
	p0 =	sne.s32 s2, $0x0  }
0x14e: {  	s3 =	rddreg [dreg:$0x2];
	[bflag:$0x3] =	sbarrier.arrive $0xFFFF;
	s2 =	simm.s32 @!p0 $0x1C07  }
0x14f: {  	[timem:s3], [sflag:s2] =	dma.local @!p0 [hbm:s0], s1  }
0x150: {  	s0 =	simm.s32 @!p0 $0x7  }
0x151: {  	_ =	swait.ge @!p0 [sflag:s0], s1  }
0x152: {  	s1 =	ssub.s32 @!p0 $0x0, s1;
	[sflag:s0] =	ssyncset.done @!p0 $0x0  }
0x153: {  	[sflag:s0] =	ssyncadd.s32 @!p0 s1  }
0x154: {  	[bflag:$0x3] =	sbarrier.arrive $0xFFFF  }
0x155: {  	_ =	shalt  }

</sc_bundles>
